<compile_context>
chip_gen: v7x
topology: tpu7x:2x2x1
jax: 0.10.2.dev20260603
libtpu: 0.0.44.dev20260713+nightly
codegen_flags: <defaults>
</compile_context>

<pallas_src>
import functools

import jax
import jax.numpy as jnp
from jax import lax
from jax.experimental import pallas as pl
from jax.experimental.pallas import tpu as pltpu
from jax.experimental.pallas import tpu_sc as plsc

N = 200000
S = 5000
NS = 16
L = 16

CH = 12544
OV = NS * CH - N
OV16 = OV // L
SP = 5120
AP = 320
ZB = SP // NS

_mesh = plsc.VectorSubcoreMesh(core_axis_name="c", subcore_axis_name="s")


@functools.partial(
    pl.kernel,
    mesh=_mesh,
    compiler_params=pltpu.CompilerParams(needs_layout_passes=False,
                                         use_tc_tiling_on_sc=False),
    out_type=jax.ShapeDtypeStruct((4 * N,), jnp.float32),
    scratch_types=[
        pltpu.VMEM((CH,), jnp.int32),
        pltpu.VMEM((CH,), jnp.int32),
        pltpu.VMEM((CH,), jnp.int32),
        pltpu.VMEM((CH,), jnp.float32),
        pltpu.VMEM((CH,), jnp.float32),
        pltpu.VMEM((CH,), jnp.float32),
        pltpu.VMEM((SP,), jnp.float32),
        pltpu.VMEM((SP,), jnp.int32),
        pltpu.VMEM((AP,), jnp.int32),
        pltpu.VMEM((AP,), jnp.int32),
        pltpu.VMEM_SHARED((SP,), jnp.float32),
        pltpu.VMEM_SHARED((SP,), jnp.int32),
        pltpu.SemaphoreType.DMA,
    ],
)
def _sc_kernel(packed_h, ah_h, out_h,
               sid_v, id_v, eb_v, vals_v, raw_v, cor_v, sums_v, corr_v,
               aidx_v, acorr_v, sums_sh, corr_sh, sem):
    c = lax.axis_index("c")
    s = lax.axis_index("s")
    is_last = s == NS - 1
    base = jnp.where(is_last, N - CH, s * CH)
    abase = jnp.where(is_last, S - AP, s * AP)

    pltpu.sync_copy(ah_h.at[pl.ds(c * S + abase, AP)], aidx_v)
    agather = pltpu.async_copy(packed_h.at[aidx_v], acorr_v, sem)

    cp_sid = pltpu.async_copy(packed_h.at[pl.ds(base, CH)], sid_v, sem)
    cp_id = pltpu.async_copy(packed_h.at[pl.ds(N + base, CH)], id_v, sem)
    cp_e = pltpu.async_copy(packed_h.at[pl.ds(2 * N + base, CH)], eb_v, sem)

    def _zbody(j, carry):
        sums_v[pl.ds(j * L, L)] = jnp.zeros((L,), jnp.float32)
        return carry
    lax.fori_loop(0, ZB // L, _zbody, 0)
    pltpu.sync_copy(sums_v.at[pl.ds(0, ZB)], sums_sh.at[pl.ds(s * ZB, ZB)])

    agather.wait()
    pltpu.sync_copy(acorr_v, corr_sh.at[pl.ds(abase, AP)])
    cp_sid.wait()
    cp_id.wait()
    cp_e.wait()

    jmin = jnp.where(is_last, OV16, 0)

    @plsc.parallel_loop(0, CH // L, unroll=8)
    def _vbody(j):
        id16 = id_v[pl.ds(j * L, L)]
        e16 = plsc.bitcast(eb_v[pl.ds(j * L, L)], jnp.float32)
        keep = jnp.logical_and(id16 == c, j >= jmin)
        vals_v[pl.ds(j * L, L)] = jnp.where(keep, e16, jnp.zeros((L,), jnp.float32))

    plsc.subcore_barrier()

    pltpu.sync_copy(vals_v, sums_sh.at[sid_v], add=True)

    plsc.subcore_barrier()

    pltpu.sync_copy(sums_sh, sums_v)
    pltpu.sync_copy(corr_sh, corr_v)

    @plsc.parallel_loop(0, CH // L, unroll=8)
    def _gbody(j):
        sid16 = sid_v[pl.ds(j * L, L)]
        raw = plsc.load_gather(sums_v, [sid16])
        cfac = plsc.bitcast(plsc.load_gather(corr_v, [sid16]), jnp.float32)
        raw_v[pl.ds(j * L, L)] = raw
        cor_v[pl.ds(j * L, L)] = raw * cfac

    obase = (1 - c) * 2 * N + base
    pltpu.sync_copy(raw_v, out_h.at[pl.ds(obase, CH)])
    pltpu.sync_copy(cor_v, out_h.at[pl.ds(obase + N, CH)])


def kernel(pred_sid, pred_energy_corr_factor, pred_beta, recHitEnergy,
           recHitID, alpha_idx_tracks, alpha_idx_hits):
    del pred_beta
    bc = lambda a: jax.lax.bitcast_convert_type(a, jnp.int32)
    packed = jnp.concatenate(
        [pred_sid, recHitID, bc(recHitEnergy), bc(pred_energy_corr_factor)],
        axis=1).T.reshape(4 * N)
    alpha_all = jnp.concatenate([alpha_idx_hits.astype(jnp.int32),
                                 alpha_idx_tracks.astype(jnp.int32)]) + 3 * N
    out4 = _sc_kernel(packed, alpha_all).reshape(4, N, 1)
    return (out4[0], out4[1], out4[2], out4[3])

# --- scband reference (transcript-rebuilt; emitter-appended) ---
"""Pipeline reference for scband-ocgather-energy-corr-fac-61237643706562 (READ-ONLY COPY).

The authoritative reference and input builder live on the scoring server;
editing this copy changes nothing except your own understanding.
"""

import jax, jax.numpy as jnp
import numpy as np

N = 200000
S = 5000

def setup_inputs(seed: int = 0):
    key = jax.random.key(seed)
    ks = jax.random.split(key, 7)
    pred_sid = jax.random.randint(ks[0], (N, 1), 0, S, dtype=jnp.int32)
    pred_sid = pred_sid.at[0, 0].set(S - 1)  # guarantee max shower id present
    pred_energy_corr_factor = jax.random.uniform(ks[1], (N, 1), dtype=jnp.float32)
    pred_beta = jax.random.uniform(ks[2], (N, 1), dtype=jnp.float32)
    recHitEnergy = jax.random.uniform(ks[3], (N, 1), dtype=jnp.float32) * 10.0
    recHitID = jax.random.randint(ks[4], (N, 1), 0, 2, dtype=jnp.int32)
    alpha_idx_hits = jax.random.randint(ks[5], (S,), 0, N, dtype=jnp.int32)
    alpha_idx_tracks = jax.random.randint(ks[6], (S,), 0, N, dtype=jnp.int32)
    return {"pred_sid": pred_sid, "pred_energy_corr_factor": pred_energy_corr_factor, "pred_beta": pred_beta, "recHitEnergy": recHitEnergy, "recHitID": recHitID, "alpha_idx_tracks": alpha_idx_tracks, "alpha_idx_hits": alpha_idx_hits}

def reference(pred_sid, pred_energy_corr_factor, pred_beta, recHitEnergy, recHitID, alpha_idx_tracks, alpha_idx_hits):
    pred_sid_p1 = pred_sid + 1
    pred_corr_factor = jnp.where(pred_sid == -1, jnp.zeros_like(pred_energy_corr_factor), pred_energy_corr_factor.astype(jnp.float32))
    rechit_energy = jnp.where(pred_sid == -1, jnp.zeros_like(recHitEnergy), recHitEnergy.astype(jnp.float32))
    is_track = recHitID
    e_hit = jnp.where(is_track == 0, rechit_energy, jnp.zeros_like(rechit_energy))
    e_track = jnp.where(is_track == 1, rechit_energy, jnp.zeros_like(rechit_energy))
    beta_hit = jnp.where(is_track == 0, pred_beta, jnp.zeros_like(pred_beta))
    beta_track = jnp.where(is_track == 1, pred_beta, jnp.zeros_like(pred_beta))
    num_segments = alpha_idx_hits.shape[0] + 1
    e_hit_shower = jax.ops.segment_sum(e_hit[:, 0], pred_sid_p1[:, 0], num_segments=num_segments)
    e_track_shower = jax.ops.segment_sum(e_track[:, 0], pred_sid_p1[:, 0], num_segments=num_segments)
    pcf = jnp.concatenate([pred_corr_factor, jnp.zeros((1, 1), dtype=pred_corr_factor.dtype)], axis=0)
    correction_hits = pcf[alpha_idx_hits.astype(jnp.int32)]
    correction_hits = jnp.concatenate([jnp.zeros((1, 1), dtype=jnp.float32), correction_hits], axis=0)
    correction_tracks = pcf[alpha_idx_tracks.astype(jnp.int32)]
    correction_tracks = jnp.concatenate([jnp.zeros((1, 1), dtype=jnp.float32), correction_tracks], axis=0)
    e_hit_shower_corrected = e_hit_shower * correction_hits[:, 0]
    e_track_shower_corrected = e_track_shower * correction_tracks[:, 0]
    e_hit_corrected = jnp.take(e_hit_shower_corrected, pred_sid_p1[:, 0]).reshape(-1, 1)
    e_hit_raw = jnp.take(e_hit_shower, pred_sid_p1[:, 0]).reshape(-1, 1)
    e_track_corrected = jnp.take(e_track_shower_corrected, pred_sid_p1[:, 0]).reshape(-1, 1)
    e_track_raw = jnp.take(e_track_shower, pred_sid_p1[:, 0]).reshape(-1, 1)
    # dict keys: tracks_raw, tracks_corrected, hits_raw, hits_corrected
    return (e_track_raw, e_track_corrected, e_hit_raw, e_hit_corrected)

if __name__ == "__main__":
    import jax
    _d = setup_inputs()
    print(jax.jit(kernel)(*tuple(_d.values())))

</pallas_src>

<mosaic_0001>
#map = affine_map<(d0, d1) -> (0)>
module attributes {stable_mosaic.version = 14 : i64} {
  func.func @_sc_kernel(%arg0: i32, %arg1: i32, %arg2: memref<800000xi32, #tpu.memory_space<hbm>>, %arg3: memref<10000xi32, #tpu.memory_space<hbm>>, %arg4: memref<800000xf32, #tpu.memory_space<hbm>>, %arg5: memref<12544xi32, #tpu.memory_space<vmem>>, %arg6: memref<12544xi32, #tpu.memory_space<vmem>>, %arg7: memref<12544xi32, #tpu.memory_space<vmem>>, %arg8: memref<12544xf32, #tpu.memory_space<vmem>>, %arg9: memref<12544xf32, #tpu.memory_space<vmem>>, %arg10: memref<12544xf32, #tpu.memory_space<vmem>>, %arg11: memref<5120xf32, #tpu.memory_space<vmem>>, %arg12: memref<5120xi32, #tpu.memory_space<vmem>>, %arg13: memref<320xi32, #tpu.memory_space<vmem>>, %arg14: memref<320xi32, #tpu.memory_space<vmem>>, %arg15: memref<5120xf32, #tpu.memory_space<vmem_shared>>, %arg16: memref<5120xi32, #tpu.memory_space<vmem_shared>>, %arg17: memref<!tpu.dma_semaphore, #tpu.memory_space<semaphore_mem>>) attributes {dimension_semantics = [#tpu.dimension_semantics<core_parallel>, #tpu.dimension_semantics<subcore_parallel>], iteration_bounds = array<i64: 2, 16>, scalar_prefetch = 0 : i64, scratch_operands = 13 : i64, tpu.core_type = #tpu.core_type<sc_vector_subcore>, window_params = [{transform_indices = #map}, {transform_indices = #map}, {transform_indices = #map}]} {
    %eq3A = arith.constant 15 : i32
    %eq3A_0 = arith.cmpi eq, %arg1, %eq3A : i32
    %mul3A = arith.constant 12544 : i32
    %mul3A_1 = arith.muli %arg1, %mul3A : i32
    %jit3A = arith.constant 187456 : i32
    %select_n3A = arith.select %eq3A_0, %jit3A, %mul3A_1 : i32
    %mul3A_2 = arith.constant 320 : i32
    %mul3A_3 = arith.muli %arg1, %mul3A_2 : i32
    %jit3A_4 = arith.constant 4680 : i32
    %select_n3A_5 = arith.select %eq3A_0, %jit3A_4, %mul3A_3 : i32
    %mul3A_6 = arith.constant 5000 : i32
    %mul3A_7 = arith.muli %arg0, %mul3A_6 : i32
    %add3A = arith.addi %mul3A_7, %select_n3A_5 : i32
    "tpu.region"() ({
      %run_scoped3A = tpu.sem_alloc : memref<!tpu.dma_semaphore, #tpu.memory_space<semaphore_mem>>
      %dma_start3A_50 = tpu.memref_slice %arg3[%add3A] : memref<10000xi32, #tpu.memory_space<hbm>> -> memref<320xi32, #tpu.memory_space<hbm>>
      %dma_start3A_51 = tpu.memref_slice %arg3[%add3A] : memref<10000xi32, #tpu.memory_space<hbm>> -> memref<320xi32, #tpu.memory_space<hbm>>
      tpu.enqueue_dma source(%dma_start3A_51 : memref<320xi32, #tpu.memory_space<hbm>>) target(%arg13 : memref<320xi32, #tpu.memory_space<vmem>>) target_semaphore(%run_scoped3A : memref<!tpu.dma_semaphore, #tpu.memory_space<semaphore_mem>>)
      %dma_wait3A_52 = tpu.memref_slice %arg3[%add3A] : memref<10000xi32, #tpu.memory_space<hbm>> -> memref<320xi32, #tpu.memory_space<hbm>>
      %dma_wait3A_53 = tpu.memref_slice %arg3[%add3A] : memref<10000xi32, #tpu.memory_space<hbm>> -> memref<320xi32, #tpu.memory_space<hbm>>
      tpu.wait_dma2 semaphore(%run_scoped3A : memref<!tpu.dma_semaphore, #tpu.memory_space<semaphore_mem>>) src(%dma_wait3A_53 : memref<320xi32, #tpu.memory_space<hbm>>) dst(%arg13 : memref<320xi32, #tpu.memory_space<vmem>>)
      tpu.yield
    }) : () -> ()
    %dma_start3A = arith.constant 0 : i32
    %dma_start3A_8 = tpu.memref_slice %arg2[%dma_start3A] : memref<800000xi32, #tpu.memory_space<hbm>> -> memref<800000xi32, #tpu.memory_space<hbm>>
    tpu.enqueue_indirect_dma source(%dma_start3A_8 : memref<800000xi32, #tpu.memory_space<hbm>>) target(%arg14 : memref<320xi32, #tpu.memory_space<vmem>>) offsets(%arg13 : memref<320xi32, #tpu.memory_space<vmem>>) semaphore(%arg17 : memref<!tpu.dma_semaphore, #tpu.memory_space<semaphore_mem>>)
    %dma_start3A_9 = tpu.memref_slice %arg2[%select_n3A] : memref<800000xi32, #tpu.memory_space<hbm>> -> memref<12544xi32, #tpu.memory_space<hbm>>
    %dma_start3A_10 = tpu.memref_slice %arg2[%select_n3A] : memref<800000xi32, #tpu.memory_space<hbm>> -> memref<12544xi32, #tpu.memory_space<hbm>>
    tpu.enqueue_dma source(%dma_start3A_10 : memref<12544xi32, #tpu.memory_space<hbm>>) target(%arg5 : memref<12544xi32, #tpu.memory_space<vmem>>) target_semaphore(%arg17 : memref<!tpu.dma_semaphore, #tpu.memory_space<semaphore_mem>>)
    %add3A_11 = arith.constant 200000 : i32
    %add3A_12 = arith.addi %add3A_11, %select_n3A : i32
    %dma_start3A_13 = tpu.memref_slice %arg2[%add3A_12] : memref<800000xi32, #tpu.memory_space<hbm>> -> memref<12544xi32, #tpu.memory_space<hbm>>
    %dma_start3A_14 = tpu.memref_slice %arg2[%add3A_12] : memref<800000xi32, #tpu.memory_space<hbm>> -> memref<12544xi32, #tpu.memory_space<hbm>>
    tpu.enqueue_dma source(%dma_start3A_14 : memref<12544xi32, #tpu.memory_space<hbm>>) target(%arg6 : memref<12544xi32, #tpu.memory_space<vmem>>) target_semaphore(%arg17 : memref<!tpu.dma_semaphore, #tpu.memory_space<semaphore_mem>>)
    %add3A_15 = arith.constant 400000 : i32
    %add3A_16 = arith.addi %add3A_15, %select_n3A : i32
    %dma_start3A_17 = tpu.memref_slice %arg2[%add3A_16] : memref<800000xi32, #tpu.memory_space<hbm>> -> memref<12544xi32, #tpu.memory_space<hbm>>
    %dma_start3A_18 = tpu.memref_slice %arg2[%add3A_16] : memref<800000xi32, #tpu.memory_space<hbm>> -> memref<12544xi32, #tpu.memory_space<hbm>>
    tpu.enqueue_dma source(%dma_start3A_18 : memref<12544xi32, #tpu.memory_space<hbm>>) target(%arg7 : memref<12544xi32, #tpu.memory_space<vmem>>) target_semaphore(%arg17 : memref<!tpu.dma_semaphore, #tpu.memory_space<semaphore_mem>>)
    %scan3A = arith.constant 0 : i32
    %scan3A_19 = arith.constant 0 : i32
    %scan3A_20 = arith.constant 20 : i32
    %scan3A_21 = arith.addi %scan3A_19, %scan3A_20 : i32
    %scan3A_22 = arith.constant 1 : i32
    scf.for %scan3A_50 = %scan3A_19 to %scan3A_21 step %scan3A_22  : i32 {
      %broadcast_in_dim3A = arith.constant 0.000000e+00 : f32
      %broadcast_in_dim3A_51 = vector.broadcast %broadcast_in_dim3A : f32 to vector<16xf32>
      %mul3A_52 = arith.constant 16 : i32
      %mul3A_53 = arith.muli %scan3A_50, %mul3A_52 : i32
      %swap3A = arith.index_cast %mul3A_53 : i32 to index
      %swap3A_54 = tpu.vector_load %arg11[%swap3A] {strides = array<i32>} : memref<5120xf32, #tpu.memory_space<vmem>>, vector<16xf32>,
      tpu.vector_store %arg11[%swap3A], %broadcast_in_dim3A_51 {strides = array<i32>} : memref<5120xf32, #tpu.memory_space<vmem>>, vector<16xf32>,
    }
    %scan3A_23 = arith.constant 20 : i32
    %mul3A_24 = arith.constant 320 : i32
    %mul3A_25 = arith.muli %arg1, %mul3A_24 : i32
    "tpu.region"() ({
      %run_scoped3A = tpu.sem_alloc : memref<!tpu.dma_semaphore, #tpu.memory_space<semaphore_mem>>
      %dma_start3A_50 = arith.constant 0 : i32
      %dma_start3A_51 = tpu.memref_slice %arg11[%dma_start3A_50] : memref<5120xf32, #tpu.memory_space<vmem>> -> memref<320xf32, #tpu.memory_space<vmem>>
      %dma_start3A_52 = tpu.memref_slice %arg15[%mul3A_25] : memref<5120xf32, #tpu.memory_space<vmem_shared>> -> memref<320xf32, #tpu.memory_space<vmem_shared>>
      %dma_start3A_53 = tpu.memref_slice %arg15[%mul3A_25] : memref<5120xf32, #tpu.memory_space<vmem_shared>> -> memref<320xf32, #tpu.memory_space<vmem_shared>>
      %dma_start3A_54 = arith.constant 0 : i32
      %dma_start3A_55 = tpu.memref_slice %arg11[%dma_start3A_54] : memref<5120xf32, #tpu.memory_space<vmem>> -> memref<320xf32, #tpu.memory_space<vmem>>
      tpu.enqueue_dma source(%dma_start3A_55 : memref<320xf32, #tpu.memory_space<vmem>>) target(%dma_start3A_53 : memref<320xf32, #tpu.memory_space<vmem_shared>>) target_semaphore(%run_scoped3A : memref<!tpu.dma_semaphore, #tpu.memory_space<semaphore_mem>>)
      %dma_wait3A_56 = arith.constant 0 : i32
      %dma_wait3A_57 = tpu.memref_slice %arg11[%dma_wait3A_56] : memref<5120xf32, #tpu.memory_space<vmem>> -> memref<320xf32, #tpu.memory_space<vmem>>
      %dma_wait3A_58 = tpu.memref_slice %arg15[%mul3A_25] : memref<5120xf32, #tpu.memory_space<vmem_shared>> -> memref<320xf32, #tpu.memory_space<vmem_shared>>
      %dma_wait3A_59 = tpu.memref_slice %arg15[%mul3A_25] : memref<5120xf32, #tpu.memory_space<vmem_shared>> -> memref<320xf32, #tpu.memory_space<vmem_shared>>
      %dma_wait3A_60 = arith.constant 0 : i32
      %dma_wait3A_61 = tpu.memref_slice %arg11[%dma_wait3A_60] : memref<5120xf32, #tpu.memory_space<vmem>> -> memref<320xf32, #tpu.memory_space<vmem>>
      tpu.wait_dma2 semaphore(%run_scoped3A : memref<!tpu.dma_semaphore, #tpu.memory_space<semaphore_mem>>) src(%dma_wait3A_61 : memref<320xf32, #tpu.memory_space<vmem>>) dst(%dma_wait3A_59 : memref<320xf32, #tpu.memory_space<vmem_shared>>)
      tpu.yield
    }) : () -> ()
    %dma_wait3A = arith.constant 0 : i32
    %dma_wait3A_26 = tpu.memref_slice %arg2[%dma_wait3A] : memref<800000xi32, #tpu.memory_space<hbm>> -> memref<800000xi32, #tpu.memory_space<hbm>>
    tpu.wait_indirect_dma semaphore(%arg17 : memref<!tpu.dma_semaphore, #tpu.memory_space<semaphore_mem>>) src(%dma_wait3A_26 : memref<800000xi32, #tpu.memory_space<hbm>>) dst(%arg14 : memref<320xi32, #tpu.memory_space<vmem>>)
    "tpu.region"() ({
      %run_scoped3A = tpu.sem_alloc : memref<!tpu.dma_semaphore, #tpu.memory_space<semaphore_mem>>
      %dma_start3A_50 = tpu.memref_slice %arg16[%select_n3A_5] : memref<5120xi32, #tpu.memory_space<vmem_shared>> -> memref<320xi32, #tpu.memory_space<vmem_shared>>
      %dma_start3A_51 = tpu.memref_slice %arg16[%select_n3A_5] : memref<5120xi32, #tpu.memory_space<vmem_shared>> -> memref<320xi32, #tpu.memory_space<vmem_shared>>
      tpu.enqueue_dma source(%arg14 : memref<320xi32, #tpu.memory_space<vmem>>) target(%dma_start3A_51 : memref<320xi32, #tpu.memory_space<vmem_shared>>) target_semaphore(%run_scoped3A : memref<!tpu.dma_semaphore, #tpu.memory_space<semaphore_mem>>)
      %dma_wait3A_52 = tpu.memref_slice %arg16[%select_n3A_5] : memref<5120xi32, #tpu.memory_space<vmem_shared>> -> memref<320xi32, #tpu.memory_space<vmem_shared>>
      %dma_wait3A_53 = tpu.memref_slice %arg16[%select_n3A_5] : memref<5120xi32, #tpu.memory_space<vmem_shared>> -> memref<320xi32, #tpu.memory_space<vmem_shared>>
      tpu.wait_dma2 semaphore(%run_scoped3A : memref<!tpu.dma_semaphore, #tpu.memory_space<semaphore_mem>>) src(%arg14 : memref<320xi32, #tpu.memory_space<vmem>>) dst(%dma_wait3A_53 : memref<320xi32, #tpu.memory_space<vmem_shared>>)
      tpu.yield
    }) : () -> ()
    %dma_wait3A_27 = tpu.memref_slice %arg2[%select_n3A] : memref<800000xi32, #tpu.memory_space<hbm>> -> memref<12544xi32, #tpu.memory_space<hbm>>
    %dma_wait3A_28 = tpu.memref_slice %arg2[%select_n3A] : memref<800000xi32, #tpu.memory_space<hbm>> -> memref<12544xi32, #tpu.memory_space<hbm>>
    tpu.wait_dma2 semaphore(%arg17 : memref<!tpu.dma_semaphore, #tpu.memory_space<semaphore_mem>>) src(%dma_wait3A_28 : memref<12544xi32, #tpu.memory_space<hbm>>) dst(%arg5 : memref<12544xi32, #tpu.memory_space<vmem>>)
    %dma_wait3A_29 = tpu.memref_slice %arg2[%add3A_12] : memref<800000xi32, #tpu.memory_space<hbm>> -> memref<12544xi32, #tpu.memory_space<hbm>>
    %dma_wait3A_30 = tpu.memref_slice %arg2[%add3A_12] : memref<800000xi32, #tpu.memory_space<hbm>> -> memref<12544xi32, #tpu.memory_space<hbm>>
    tpu.wait_dma2 semaphore(%arg17 : memref<!tpu.dma_semaphore, #tpu.memory_space<semaphore_mem>>) src(%dma_wait3A_30 : memref<12544xi32, #tpu.memory_space<hbm>>) dst(%arg6 : memref<12544xi32, #tpu.memory_space<vmem>>)
    %dma_wait3A_31 = tpu.memref_slice %arg2[%add3A_16] : memref<800000xi32, #tpu.memory_space<hbm>> -> memref<12544xi32, #tpu.memory_space<hbm>>
    %dma_wait3A_32 = tpu.memref_slice %arg2[%add3A_16] : memref<800000xi32, #tpu.memory_space<hbm>> -> memref<12544xi32, #tpu.memory_space<hbm>>
    tpu.wait_dma2 semaphore(%arg17 : memref<!tpu.dma_semaphore, #tpu.memory_space<semaphore_mem>>) src(%dma_wait3A_32 : memref<12544xi32, #tpu.memory_space<hbm>>) dst(%arg7 : memref<12544xi32, #tpu.memory_space<vmem>>)
    %jit3A_33 = arith.constant 44 : i32
    %jit3A_34 = arith.constant 0 : i32
    %select_n3A_35 = arith.select %eq3A_0, %jit3A_33, %jit3A_34 : i32
    %parallel_loop3A = arith.constant 0 : i32
    %parallel_loop3A_36 = arith.constant 784 : i32
    %parallel_loop3A_37 = arith.constant 1 : i32
    scf.for %parallel_loop3A_50 = %parallel_loop3A to %parallel_loop3A_36 step %parallel_loop3A_37  : i32 {
      %parallel_loop3A_51 = arith.constant 16 : i32
      %parallel_loop3A_52 = arith.muli %parallel_loop3A_50, %parallel_loop3A_51 : i32
      %parallel_loop3A_53 = arith.index_cast %parallel_loop3A_52 : i32 to index
      %parallel_loop3A_54 = tpu.vector_load %arg6[%parallel_loop3A_53] {strides = array<i32>} : memref<12544xi32, #tpu.memory_space<vmem>>, vector<16xi32>,
      %parallel_loop3A_55 = arith.constant 16 : i32
      %parallel_loop3A_56 = arith.muli %parallel_loop3A_50, %parallel_loop3A_55 : i32
      %parallel_loop3A_57 = arith.index_cast %parallel_loop3A_56 : i32 to index
      %parallel_loop3A_58 = tpu.vector_load %arg7[%parallel_loop3A_57] {strides = array<i32>} : memref<12544xi32, #tpu.memory_space<vmem>>, vector<16xi32>,
      %parallel_loop3A_59 = vector.bitcast %parallel_loop3A_58 : vector<16xi32> to vector<16xf32>
      %parallel_loop3A_60 = vector.broadcast %arg0 : i32 to vector<16xi32>
      %parallel_loop3A_61 = arith.cmpi eq, %parallel_loop3A_54, %parallel_loop3A_60 : vector<16xi32>
      %parallel_loop3A_62 = arith.cmpi sge, %parallel_loop3A_50, %select_n3A_35 : i32
      %parallel_loop3A_63 = vector.broadcast %parallel_loop3A_62 : i1 to vector<16xi1>
      %parallel_loop3A_64 = arith.andi %parallel_loop3A_61, %parallel_loop3A_63 : vector<16xi1>
      %parallel_loop3A_65 = arith.constant 0.000000e+00 : f32
      %parallel_loop3A_66 = vector.broadcast %parallel_loop3A_65 : f32 to vector<16xf32>
      %parallel_loop3A_67 = arith.select %parallel_loop3A_64, %parallel_loop3A_59, %parallel_loop3A_66 : vector<16xi1>, vector<16xf32>
      %parallel_loop3A_68 = arith.constant 16 : i32
      %parallel_loop3A_69 = arith.muli %parallel_loop3A_50, %parallel_loop3A_68 : i32
      %parallel_loop3A_70 = arith.index_cast %parallel_loop3A_69 : i32 to index
      %parallel_loop3A_71 = tpu.vector_load %arg8[%parallel_loop3A_70] {strides = array<i32>} : memref<12544xf32, #tpu.memory_space<vmem>>, vector<16xf32>,
      tpu.vector_store %arg8[%parallel_loop3A_70], %parallel_loop3A_67 {strides = array<i32>} : memref<12544xf32, #tpu.memory_space<vmem>>, vector<16xf32>,
    } {sc.loop_unroll_factor = 8 : i64, sc.parallel_access}
    %barrier3A = arith.constant 0 : index
    tpu.barrier barrier_id(%barrier3A)
    "tpu.region"() ({
      %run_scoped3A = tpu.sem_alloc : memref<!tpu.dma_semaphore, #tpu.memory_space<semaphore_mem>>
      %dma_start3A_50 = arith.constant 0 : i32
      %dma_start3A_51 = tpu.memref_slice %arg15[%dma_start3A_50] : memref<5120xf32, #tpu.memory_space<vmem_shared>> -> memref<5120xf32, #tpu.memory_space<vmem_shared>>
      tpu.enqueue_indirect_dma source(%arg8 : memref<12544xf32, #tpu.memory_space<vmem>>) target(%dma_start3A_51 : memref<5120xf32, #tpu.memory_space<vmem_shared>>) offsets(%arg5 : memref<12544xi32, #tpu.memory_space<vmem>>) semaphore(%run_scoped3A : memref<!tpu.dma_semaphore, #tpu.memory_space<semaphore_mem>>) {add = true}
      %dma_wait3A_52 = arith.constant 0 : i32
      %dma_wait3A_53 = tpu.memref_slice %arg15[%dma_wait3A_52] : memref<5120xf32, #tpu.memory_space<vmem_shared>> -> memref<5120xf32, #tpu.memory_space<vmem_shared>>
      tpu.wait_indirect_dma semaphore(%run_scoped3A : memref<!tpu.dma_semaphore, #tpu.memory_space<semaphore_mem>>) src(%arg8 : memref<12544xf32, #tpu.memory_space<vmem>>) dst(%dma_wait3A_53 : memref<5120xf32, #tpu.memory_space<vmem_shared>>)
      tpu.yield
    }) : () -> ()
    %barrier3A_38 = arith.constant 0 : index
    tpu.barrier barrier_id(%barrier3A_38)
    "tpu.region"() ({
      %run_scoped3A = tpu.sem_alloc : memref<!tpu.dma_semaphore, #tpu.memory_space<semaphore_mem>>
      tpu.enqueue_dma source(%arg15 : memref<5120xf32, #tpu.memory_space<vmem_shared>>) target(%arg11 : memref<5120xf32, #tpu.memory_space<vmem>>) target_semaphore(%run_scoped3A : memref<!tpu.dma_semaphore, #tpu.memory_space<semaphore_mem>>)
      tpu.wait_dma2 semaphore(%run_scoped3A : memref<!tpu.dma_semaphore, #tpu.memory_space<semaphore_mem>>) src(%arg15 : memref<5120xf32, #tpu.memory_space<vmem_shared>>) dst(%arg11 : memref<5120xf32, #tpu.memory_space<vmem>>)
      tpu.yield
    }) : () -> ()
    "tpu.region"() ({
      %run_scoped3A = tpu.sem_alloc : memref<!tpu.dma_semaphore, #tpu.memory_space<semaphore_mem>>
      tpu.enqueue_dma source(%arg16 : memref<5120xi32, #tpu.memory_space<vmem_shared>>) target(%arg12 : memref<5120xi32, #tpu.memory_space<vmem>>) target_semaphore(%run_scoped3A : memref<!tpu.dma_semaphore, #tpu.memory_space<semaphore_mem>>)
      tpu.wait_dma2 semaphore(%run_scoped3A : memref<!tpu.dma_semaphore, #tpu.memory_space<semaphore_mem>>) src(%arg16 : memref<5120xi32, #tpu.memory_space<vmem_shared>>) dst(%arg12 : memref<5120xi32, #tpu.memory_space<vmem>>)
      tpu.yield
    }) : () -> ()
    %parallel_loop3A_39 = arith.constant 0 : i32
    %parallel_loop3A_40 = arith.constant 784 : i32
    %parallel_loop3A_41 = arith.constant 1 : i32
    scf.for %parallel_loop3A_50 = %parallel_loop3A_39 to %parallel_loop3A_40 step %parallel_loop3A_41  : i32 {
      %parallel_loop3A_51 = arith.constant 16 : i32
      %parallel_loop3A_52 = arith.muli %parallel_loop3A_50, %parallel_loop3A_51 : i32
      %parallel_loop3A_53 = arith.index_cast %parallel_loop3A_52 : i32 to index
      %parallel_loop3A_54 = tpu.vector_load %arg5[%parallel_loop3A_53] {strides = array<i32>} : memref<12544xi32, #tpu.memory_space<vmem>>, vector<16xi32>,
      %parallel_loop3A_55 = tpu.vector_load_idx %arg11[%parallel_loop3A_54] : memref<5120xf32, #tpu.memory_space<vmem>>[vector<16xi32>], vector<16xf32>,
      %parallel_loop3A_56 = tpu.vector_load_idx %arg12[%parallel_loop3A_54] : memref<5120xi32, #tpu.memory_space<vmem>>[vector<16xi32>], vector<16xi32>,
      %parallel_loop3A_57 = vector.bitcast %parallel_loop3A_56 : vector<16xi32> to vector<16xf32>
      %parallel_loop3A_58 = arith.constant 16 : i32
      %parallel_loop3A_59 = arith.muli %parallel_loop3A_50, %parallel_loop3A_58 : i32
      %parallel_loop3A_60 = arith.index_cast %parallel_loop3A_59 : i32 to index
      %parallel_loop3A_61 = tpu.vector_load %arg9[%parallel_loop3A_60] {strides = array<i32>} : memref<12544xf32, #tpu.memory_space<vmem>>, vector<16xf32>,
      tpu.vector_store %arg9[%parallel_loop3A_60], %parallel_loop3A_55 {strides = array<i32>} : memref<12544xf32, #tpu.memory_space<vmem>>, vector<16xf32>,
      %parallel_loop3A_62 = arith.mulf %parallel_loop3A_55, %parallel_loop3A_57 : vector<16xf32>
      %parallel_loop3A_63 = arith.constant 16 : i32
      %parallel_loop3A_64 = arith.muli %parallel_loop3A_50, %parallel_loop3A_63 : i32
      %parallel_loop3A_65 = arith.index_cast %parallel_loop3A_64 : i32 to index
      %parallel_loop3A_66 = tpu.vector_load %arg10[%parallel_loop3A_65] {strides = array<i32>} : memref<12544xf32, #tpu.memory_space<vmem>>, vector<16xf32>,
      tpu.vector_store %arg10[%parallel_loop3A_65], %parallel_loop3A_62 {strides = array<i32>} : memref<12544xf32, #tpu.memory_space<vmem>>, vector<16xf32>,
    } {sc.loop_unroll_factor = 8 : i64, sc.parallel_access}
    %sub3A = arith.constant 1 : i32
    %sub3A_42 = arith.subi %sub3A, %arg0 : i32
    %mul3A_43 = arith.constant 2 : i32
    %mul3A_44 = arith.muli %sub3A_42, %mul3A_43 : i32
    %mul3A_45 = arith.constant 200000 : i32
    %mul3A_46 = arith.muli %mul3A_44, %mul3A_45 : i32
    %add3A_47 = arith.addi %mul3A_46, %select_n3A : i32
    "tpu.region"() ({
      %run_scoped3A = tpu.sem_alloc : memref<!tpu.dma_semaphore, #tpu.memory_space<semaphore_mem>>
      %dma_start3A_50 = tpu.memref_slice %arg4[%add3A_47] : memref<800000xf32, #tpu.memory_space<hbm>> -> memref<12544xf32, #tpu.memory_space<hbm>>
      %dma_start3A_51 = tpu.memref_slice %arg4[%add3A_47] : memref<800000xf32, #tpu.memory_space<hbm>> -> memref<12544xf32, #tpu.memory_space<hbm>>
      tpu.enqueue_dma source(%arg9 : memref<12544xf32, #tpu.memory_space<vmem>>) target(%dma_start3A_51 : memref<12544xf32, #tpu.memory_space<hbm>>) target_semaphore(%run_scoped3A : memref<!tpu.dma_semaphore, #tpu.memory_space<semaphore_mem>>)
      %dma_wait3A_52 = tpu.memref_slice %arg4[%add3A_47] : memref<800000xf32, #tpu.memory_space<hbm>> -> memref<12544xf32, #tpu.memory_space<hbm>>
      %dma_wait3A_53 = tpu.memref_slice %arg4[%add3A_47] : memref<800000xf32, #tpu.memory_space<hbm>> -> memref<12544xf32, #tpu.memory_space<hbm>>
      tpu.wait_dma2 semaphore(%run_scoped3A : memref<!tpu.dma_semaphore, #tpu.memory_space<semaphore_mem>>) src(%arg9 : memref<12544xf32, #tpu.memory_space<vmem>>) dst(%dma_wait3A_53 : memref<12544xf32, #tpu.memory_space<hbm>>)
      tpu.yield
    }) : () -> ()
    %add3A_48 = arith.constant 200000 : i32
    %add3A_49 = arith.addi %add3A_47, %add3A_48 : i32
    "tpu.region"() ({
      %run_scoped3A = tpu.sem_alloc : memref<!tpu.dma_semaphore, #tpu.memory_space<semaphore_mem>>
      %dma_start3A_50 = tpu.memref_slice %arg4[%add3A_49] : memref<800000xf32, #tpu.memory_space<hbm>> -> memref<12544xf32, #tpu.memory_space<hbm>>
      %dma_start3A_51 = tpu.memref_slice %arg4[%add3A_49] : memref<800000xf32, #tpu.memory_space<hbm>> -> memref<12544xf32, #tpu.memory_space<hbm>>
      tpu.enqueue_dma source(%arg10 : memref<12544xf32, #tpu.memory_space<vmem>>) target(%dma_start3A_51 : memref<12544xf32, #tpu.memory_space<hbm>>) target_semaphore(%run_scoped3A : memref<!tpu.dma_semaphore, #tpu.memory_space<semaphore_mem>>)
      %dma_wait3A_52 = tpu.memref_slice %arg4[%add3A_49] : memref<800000xf32, #tpu.memory_space<hbm>> -> memref<12544xf32, #tpu.memory_space<hbm>>
      %dma_wait3A_53 = tpu.memref_slice %arg4[%add3A_49] : memref<800000xf32, #tpu.memory_space<hbm>> -> memref<12544xf32, #tpu.memory_space<hbm>>
      tpu.wait_dma2 semaphore(%run_scoped3A : memref<!tpu.dma_semaphore, #tpu.memory_space<semaphore_mem>>) src(%arg10 : memref<12544xf32, #tpu.memory_space<vmem>>) dst(%dma_wait3A_53 : memref<12544xf32, #tpu.memory_space<hbm>>)
      tpu.yield
    }) : () -> ()
    return
  }
}

</mosaic_0001>

<sc_bundles>
// kernel: kernel.3.cloned.1.call-start
scs
__scs_entry_jumppad:
0x0: {  	(pc) =	sbr.rel $0x88, $3  }
0x1: {  	(tag) =	ssettag $0x0;
	lr =	simm.s32 $0x1  }
0x2: {  	[smem:$0x3F9B] =	sst lr;
	_ =	strace $0xD0000000  }
0x3: {  	_ = 	snop  }
0x4: {  	_ = 	snop  }
0x5: {  	_ = 	snop  }
0x6: {  	_ = 	snop  }
0x7: {  	_ = 	snop  }
__scs_overlays_trampoline_lowered:
0x8: {  	[smem:$0x3FAA] =	sst s0  }
0x9: {  	[smem:$0x3FAB] =	sst s1  }
0xa: {  	[smem:$0x3FAC] =	sst s2  }
0xb: {  	[smem:$0x3FAD] =	sst s3  }
0xc: {  	[smem:$0x3FAE] =	sst s4  }
0xd: {  	[smem:$0x3FAF] =	sst s5  }
0xe: {  	[smem:$0x3FB0] =	sst s6  }
0xf: {  	[smem:$0x3FB1] =	sst s7  }
0x10: {  	[smem:$0x3FB2] =	sst s8  }
0x11: {  	[smem:$0x3FB3] =	sst s9;
	s0 =	simm.s32 @!p0 $0x0  }
0x12: {  	s1 =	sld [smem:$0x3F99];
	s0 =	simm.s32 @p0 $0x1  }
0x13: {  	[smem:$0x3FB4] =	sst s0;
	s0 =	simm.s32 @!p1 $0x0  }
0x14: {  	s2 =	sld [smem:$0x3F98];
	s0 =	simm.s32 @p1 $0x1  }
0x15: {  	[smem:$0x3FB5] =	sst s0;
	s0 =	simm.s32 @!p2 $0x0  }
0x16: {  	s3 =	sld [smem:$0x3FDB];
	s0 =	simm.s32 @p2 $0x1  }
0x17: {  	s4 =	simm.s32 $0x1BF5;
	[smem:$0x3FB7] =	sst s0  }
0x18: {  	s0 =	sld [smem:$0x3F9A];
	_ =	swait.ge [sflag:s4], $0x0  }
0x19: {  	s7 =	sld [smem:$0x3F9B]  }
0x1a: {  	s8 =	sadd.s32 $0xFFFFE003, lr  }
0x1b: {  	s9 =	sadd.s32 $0xFFFFFEF7, lr;
	s5 =	simm.s32 $0xFFFFFFFF;
	p2 =	slt.u32 s8, $0xFFFFF086  }
0x1c: {  	p1 =	slt.u32 s9, $0xF7A;
	s5 =	simm.s32 @!p2 $0x0  }
0x1d: {  	s5 =	simm.s32 @p1 $0x1;
	p0 =	seq.s32 s7, s2  }
0x1e: {  	s7 =	smul.u32 @!p0 $0xF7A, s2;
	p2 =	seq.s32 @!p0 s5, $0x0  }
0x1f: {  	s9 =	smul.u32 $0xF7A, s1;
	s8 =	simm.s32 @!p0 $0x1BF5;
	p2 =	por !p2, p0  }
0x20: {  	[sflag:s8] =	ssyncset.s32 @!p0 $0xFFFFF086;
	s6 =	sadd.s32 @!p0 s3, s7;
	s7 =	simm.s32 @!p0 $0x108  }
0x21: {  	s3 =	sadd.s32 s3, s9;
	s6 =	sadd.s32 @!p0 $0x88, s6;
	s7 =	simm.s32 @p2 $0x1082  }
0x22: {  	[simem:s7], [sflag:s8] =	dma.local @!p0 [hbm:s6], $0xF7A  }
0x23: {  	s9 =	sor.u32 $0xD0000000, s2;
	s6 =	simm.s32 $0x108;
	_ =	swait.ge @!p0 [sflag:s8], $0x0  }
0x24: {  	s3 =	sadd.s32 $0x88, s3;
	s6 =	simm.s32 @!p1 $0x1082;
	[sflag:s4] =	ssyncset.s32 $0xFFFFF086  }
0x25: {  	[simem:s6], [sflag:s4] =	dma.local [hbm:s3], $0xF7A  }
0x26: {  	[smem:$0x3F9B] =	sst s1;
	(tag) =	ssettag s2;
	_ =	strace s9  }
0x27: {  	s1 =	sld [smem:$0x3FAB]  }
0x28: {  	s2 =	sld [smem:$0x3FAC]  }
0x29: {  	s4 =	sld [smem:$0x3FAE]  }
0x2a: {  	p0 =	seq.s32 s5, $0x0;
	s5 =	sld [smem:$0x3FAF]  }
0x2b: {  	s6 =	sld [smem:$0x3FB0]  }
0x2c: {  	s7 =	sld [smem:$0x3FB1]  }
0x2d: {  	s3 =	simm.s32 $0x108;
	s8 =	sld [smem:$0x3FB2]  }
0x2e: {  	s3 =	simm.s32 @!p0 $0x1082;
	s9 =	sld [smem:$0x3FB3]  }
0x2f: {  	lr =	sadd.s32 s0, s3;
	s0 =	sld [smem:$0x3FAA]  }
0x30: {  	s3 =	sld [smem:$0x3FAD]  }
0x31: {  	[smem:$0x3FB6] =	sst s10  }
0x32: {  	s10 =	sld [smem:$0x3FB4];
	_ =	sdelay $0x3  }
0x33: {  	p0 =	seq.s32 s10, $0x1;
	s10 =	sld [smem:$0x3FB6];
	_ =	sdelay $0x3  }
0x34: {  	[smem:$0x3FB6] =	sst s10  }
0x35: {  	s10 =	sld [smem:$0x3FB5];
	_ =	sdelay $0x3  }
0x36: {  	p1 =	seq.s32 s10, $0x1;
	s10 =	sld [smem:$0x3FB6];
	_ =	sdelay $0x3  }
0x37: {  	[smem:$0x3FB6] =	sst s10  }
0x38: {  	s10 =	sld [smem:$0x3FB7]  }
0x39: {  	_ = 	snop;
	(pc) =	sbr.ind lr, $3  }
0x3a: {  	_ = 	snop  }
0x3b: {  	_ = 	snop  }
0x3c: {  	p2 =	seq.s32 s10, $0x1;
	s10 =	sld [smem:$0x3FB6]  }
0x3d: {  	_ =	shalt  }
0x3e: {  	_ =	shalt  }
0x3f: {  	_ =	shalt  }
0x40: {  	_ =	shalt  }
0x41: {  	_ =	shalt  }
0x42: {  	_ =	shalt  }
0x43: {  	_ =	shalt  }
0x44: {  	_ =	shalt  }
0x45: {  	_ =	shalt  }
0x46: {  	_ =	shalt  }
0x47: {  	_ =	shalt  }
0x48: {  	_ =	shalt  }
0x49: {  	_ =	shalt  }
0x4a: {  	_ =	shalt  }
0x4b: {  	_ =	shalt  }
0x4c: {  	_ =	shalt  }
0x4d: {  	_ =	shalt  }
0x4e: {  	_ =	shalt  }
0x4f: {  	_ =	shalt  }
0x50: {  	_ =	shalt  }
0x51: {  	_ =	shalt  }
0x52: {  	_ =	shalt  }
0x53: {  	_ =	shalt  }
0x54: {  	_ =	shalt  }
0x55: {  	_ =	shalt  }
0x56: {  	_ =	shalt  }
0x57: {  	_ =	shalt  }
0x58: {  	_ =	shalt  }
0x59: {  	_ =	shalt  }
0x5a: {  	_ =	shalt  }
0x5b: {  	_ =	shalt  }
0x5c: {  	_ =	shalt  }
0x5d: {  	_ =	shalt  }
0x5e: {  	_ =	shalt  }
0x5f: {  	_ =	shalt  }
0x60: {  	_ =	shalt  }
0x61: {  	_ =	shalt  }
0x62: {  	_ =	shalt  }
0x63: {  	_ =	shalt  }
0x64: {  	_ =	shalt  }
0x65: {  	_ =	shalt  }
0x66: {  	_ =	shalt  }
0x67: {  	_ =	shalt  }
0x68: {  	_ =	shalt  }
0x69: {  	_ =	shalt  }
0x6a: {  	_ =	shalt  }
0x6b: {  	_ =	shalt  }
0x6c: {  	_ =	shalt  }
0x6d: {  	_ =	shalt  }
0x6e: {  	_ =	shalt  }
0x6f: {  	_ =	shalt  }
0x70: {  	_ =	shalt  }
0x71: {  	_ =	shalt  }
0x72: {  	_ =	shalt  }
0x73: {  	_ =	shalt  }
0x74: {  	_ =	shalt  }
0x75: {  	_ =	shalt  }
0x76: {  	_ =	shalt  }
0x77: {  	_ =	shalt  }
0x78: {  	_ =	shalt  }
0x79: {  	_ =	shalt  }
0x7a: {  	_ =	shalt  }
0x7b: {  	_ =	shalt  }
0x7c: {  	_ =	shalt  }
0x7d: {  	_ =	shalt  }
0x7e: {  	_ =	shalt  }
0x7f: {  	_ =	shalt  }
0x80: {  	_ =	shalt  }
0x81: {  	_ =	shalt  }
0x82: {  	_ =	shalt  }
0x83: {  	_ =	shalt  }
0x84: {  	_ =	shalt  }
0x85: {  	_ =	shalt  }
0x86: {  	_ =	shalt  }
0x87: {  	_ =	shalt  }
.Lfunc_end0:
.L_simem_size_0:
called_computation_lowered:
.L_overlay_start_0:
0x88: {  	s2 =	sld [smem:$0x3FD9]  }
0x89: {  	s3 =	sld [smem:$0x3FFE];
	_ =	sdelay $0x1  }
0x8a: {  	s1 =	srdreg.scid  }
0x8b: {  	s0 =	sand.u32 $0x1, s1  }
0x8c: {  	s14 =	sshll.u32 s0, $0xA;
	s2 =	sadd.s32 s3, s2  }
0x8d: {  	s2 =	sadd.s32 s2, s14  }
0x8e: {  	[smem:$0x3FC2] =	sst s2  }
0x8f: {  	_ = 	snop  }
0x90: {  	s2 =	sld [smem:$0x3FD0];
	_ =	sdelay $0x2  }
0x91: {  	s15 =	simm.s32 $0xA;
	s4 =	simm.s32 $0x10  }
0x92: {  	[smem:s4], [sflag:s15] =	dma.local [hbm:s2], $0x1  }
0x93: {  	_ =	swait.eq [sflag:s15], $0x1  }
0x94: {  	[sflag:s15] =	ssyncset.done $0x0  }
0x95: {  	[sflag:s15] =	ssyncadd.s32 $0xFFFFFFFF  }
0x96: {  	s16 =	sld [smem:$0x11];
	(tm) =	ssettm $0x1  }
0x97: {  	s17 =	sld [smem:$0x3FFB];
	_ =	sdelay $0x3  }
0x98: {  	_ =	strace s17  }
0x99: {  	s3 =	sld [smem:$0x3FFC];
	_ =	sdelay $0x3  }
0x9a: {  	_ =	strace s3  }
0x9b: {  	s3 =	sld [smem:$0x3FFD];
	_ =	sdelay $0x3  }
0x9c: {  	_ =	strace s3  }
0x9d: {  	_ =	strace $0x8FFFFFFF  }
0x9e: {  	s18 =	sld [smem:$0x3FDB];
	_ =	sdelay $0x1  }
0x9f: {  	s19 =	simm.s32 $_scs_section_size  }
0xa0: {  	s5 =	simm.s32 $_size__tile_overlayer_lowered;
	s6 =	simm.s32 $_tile_overlayer_lowered  }
0xa1: {  	s22 =	simm.s32 $0x1BFF;
	s21 =	sshll.u32 s6, $0x1;
	s3 =	sadd.s32 s19, s18  }
0xa2: {  	s7 =	simm.s32 $0x0;
	s20 =	sshll.u32 s5, $0x1;
	s5 =	sadd.s32 s21, s3  }
0xa3: {  	[timem:s7], [sflag:s22] =	dma.local [hbm:s5], s20  }
0xa4: {  	_ =	swait.ge [sflag:s22], s20  }
0xa5: {  	s4 =	ssub.s32 $0x0, s20;
	[sflag:s22] =	ssyncset.done $0x0  }
0xa6: {  	[sflag:s22] =	ssyncadd.s32 s4;
	_ =	sdelay $0x1  }
0xa7: {  	s23 =	simm.s32 $0x1B8B  }
0xa8: {  	_ =	swait.ge [sflag:s23], $0x1  }
0xa9: {  	[sflag:s23] =	ssyncset.done $0x0  }
0xaa: {  	s25 =	simm.s32 $0x1B8E;
	s24 =	sld [smem:$0x3FFE];
	[sflag:s23] =	ssyncadd.s32 $0xFFFFFFFF  }
0xab: {  	s26 =	simm.s32 $execute0_lowered;
	[smem:$0x3FD2] =	sst s25  }
0xac: {  	s5 =	sshll.u32 s26, $0x1;
	_ =	strace $0x80000046;
	[dreg:$0x1] =	wrdreg $0xFFFFFFFF  }
0xad: {  	s28 =	simm.s32 $_size_execute0_lowered;
	s3 =	sadd.s32 s3, s5;
	[dreg:$0x0] =	wrdreg $0x0  }
0xae: {  	s5 =	sshll.u32 s28, $0x1;
	[dreg:$0x2] =	wrdreg s3  }
0xaf: {  	[dreg:$0x3] =	wrdreg s5  }
0xb0: {  	[dreg:$0x4] =	wrdreg $0xC0  }
0xb1: {  	_ =	task [dreg:s7], $0x5FFFF  }
0xb2: {  	[dreg:$0x1] =	wrdreg $0xFFFFFFFF  }
0xb3: {  	[dreg:$0x0] =	wrdreg $0x60  }
0xb4: {  	[dreg:$0x2] =	wrdreg s24  }
0xb5: {  	[dreg:$0x3] =	wrdreg s16  }
0xb6: {  	[dreg:$0x4] =	wrdreg $0x150800  }
0xb7: {  	[dreg:$0x5] =	wrdreg $0x151C00  }
0xb8: {  	[dreg:$0x6] =	wrdreg $0x9  }
0xb9: {  	_ =	task.clear_ibuf [dreg:s7], $0x7FFFF;
	_ =	strace $0x90000046  }
0xba: {  	s29 =	simm.s32 $0x9;
	_ =	strace $0x80000048  }
0xbb: {  	_ =	swait.ge [sflag:s29], $0x1  }
0xbc: {  	[sflag:s29] =	ssyncadd.s32 $0xFFFFFFFF  }
0xbd: {  	_ =	strace $0x90000048  }
0xbe: {  	_ =	sfence  }
0xbf: {  	s30 =	sld [smem:$0x0];
	_ =	sdelay $0x2  }
0xc0: {  	s31 =	sshll.u32 s1, $0xD;
	s1 =	sshrl.u32 s1, $0x2  }
0xc1: {  	s3 =	sand.u32 $0x4000, s31;
	s1 =	sadd.s32 s1, s30  }
0xc2: {  	s0 =	sor.u32 s3, s0;
	s1 =	sshll.u32 s1, $0x11  }
0xc3: {  	s0 =	sor.u32 s1, s0  }
0xc4: {  	s0 =	sadd.s32 $0x8F2B, s0  }
0xc5: {  	[sflag:s0] =	ssyncadd.remote.s32 $0x1  }
0xc6: {  	_ =	sfence.sel $0xFFFF  }
0xc7: {  	[dreg:$0x0] =	wrdreg $0xFFFFFFFF;
	(pc) =	sbr.abs _section_cstart, $3  }
0xc8: {  	[dreg:$0x1] =	wrdreg $0xFFFFFFFF  }
0xc9: {  	_ =	task.clear_ibuf [dreg:s7], $0x2FFFF;
	_ =	strace $0x9FFFFFFF  }
0xca: {  	(tm) =	ssettm $0x7FFFFFFF  }
0xcb: {  	_ =	shalt  }
tec
execute0_lowered:
.L_overlay_start_1:
0x0: {  	(tag) =	ssettag $0x1  }
0x1: {  	s0 =	rddreg [dreg:$0x0]  }
0x2: {  	s1 =	rddreg [dreg:$0x1];
	s3 =	srdreg.scid  }
0x3: {  	s2 =	rddreg [dreg:$0x2];
	s6 =	stileid.u32  }
0x4: {  	s13 =	rddreg [dreg:$0x3];
	s4 =	simm.s32 $0x0;
	s16 =	simm.s32 $0x14E00  }
0x5: {  	s17 =	simm.s32 $0x2;
	s19 =	simm.s32 $0x14F40;
	s20 =	simm.s32 $0x3100  }
0x6: {  	s22 =	simm.s32 $0x12600;
	s23 =	simm.s32 $0x1;
	s24 =	simm.s32 $0x9300  }
0x7: {  	s25 =	simm.s32 $0x13A00;
	s26 =	simm.s32 $0xC400;
	s28 =	simm.s32 $0xF500  }
0x8: {  	s29 =	simm.s32 $0x0;
	s3 =	sand.u32 $0x1, s3;
	s7 =	smul.u32 $0x3100, s6  }
0x9: {  	[smem:$0x7FF] =	sst s4;
	p0 =	seq.s32 s6, $0xF;
	s12 =	smul.u32 $0x140, s6  }
0xa: {  	s6 =	sadd.s32 $0xE00, s0;
	s5 =	sxor.u32 $0x1, s3;
	_ =	strace $0x80000047  }
0xb: {  	s31 =	ssub.s32 $0x2, s3;
	s5 =	smul.u32 $0x61A80, s5;
	s7 =	simm.s32 @p0 $0x2DC40  }
0xc: {  	s9 =	smul.u32 $0x1388, s3;
	s10 =	sshrl.u32 s31, $0x1;
	s11 =	sshrl.u32 s7, $0x3  }
0xd: {  	s15 =	ssub.s32 s31, s10;
	s8 =	sadd.s32 s7, s5;
	s5 =	sadd.s32 s12, s2  }
0xe: {  	s12 =	simm.s32 @p0 $0x1248;
	s15 =	smax.u32 s15, $0x1;
	s8 =	sshrl.u32 s8, $0x3  }
0xf: {  	s9 =	sadd.s32 s9, s12;
	s12 =	sadd.s32 s12, s13;
	s0 =	sadd.s32 s8, s0  }
0x10: {  	s9 =	sshrl.u32 s9, $0x3;
	s8 =	sadd.s32 s6, s11;
	s11 =	simm.s32 $0x2C  }
0x11: {  	s7 =	sadd.s32 s1, s9;
	s9 =	sadd.s32 $0x61A8, s8;
	s10 =	sadd.s32 $0xC350, s8  }
0x12: {  	v1 =	vimm.f32 $0.0e+00;
	vm0 =	vmxor vm0, vm0;
	v0 =	vmov s3;
	s11 =	simm.s32 @!p0 $0x0;
	s13 =	sadd.s32 $0x19600, s0;
	s14 =	sadd.s32 $0x1F7A8, s0  }
.LBB2_1:
0x13: {  	[tilespmem:s16], [sflag:$0x2] =	stream.linear.gather [hbm4b:s7+s4], $0x140, $0x38;
	[tilespmem:$0x15300] =	vst v63  }
0x14: {  	_ =	swait.ge [sflag:s17], $0x140  }
0x15: {  	[sflag:s17] =	ssyncset.done $0x0  }
0x16: {  	s0 =	simm.s32 $0x140;
	[sflag:s17] =	ssyncadd.s32 $0xFFFFFEC0  }
0x17: {  	[tilespmem:s19], [sflag:$0x1] =	stream.indirect.gather [hbm4b:s6+s0], $0x1, s16, s0, $0xb8;
	[tilespmem:$0x15300] =	vst v63  }
0x18: {  	_ = 	snop  }
0x19: {  	[tilespmem:s4], [sflag:$0x1] =	stream.linear.gather [hbm4b:s8+s4], $0x3100, $0x38;
	[tilespmem:$0x15300] =	vst v63  }
0x1a: {  	_ = 	snop  }
0x1b: {  	[tilespmem:s20], [sflag:$0x1] =	stream.linear.gather [hbm4b:s9+s4], $0x3100, $0x38;
	[tilespmem:$0x15300] =	vst v63  }
0x1c: {  	s18 =	simm.s32 $0x6200  }
0x1d: {  	[tilespmem:s18], [sflag:$0x1] =	stream.linear.gather [hbm4b:s10+s4], $0x3100, $0x38;
	[tilespmem:$0x15300] =	vst v63  }
0x1e: {  	[tilespmem:$0x12600] =	vst v1  }
0x1f: {  	[tilespmem:$0x12610] =	vst v1  }
0x20: {  	[tilespmem:$0x12620] =	vst v1  }
0x21: {  	[tilespmem:$0x12630] =	vst v1  }
0x22: {  	[tilespmem:$0x12640] =	vst v1  }
0x23: {  	[tilespmem:$0x12650] =	vst v1  }
0x24: {  	[tilespmem:$0x12660] =	vst v1  }
0x25: {  	[tilespmem:$0x12670] =	vst v1  }
0x26: {  	[tilespmem:$0x12680] =	vst v1  }
0x27: {  	[tilespmem:$0x12690] =	vst v1  }
0x28: {  	[tilespmem:$0x126A0] =	vst v1  }
0x29: {  	[tilespmem:$0x126B0] =	vst v1  }
0x2a: {  	[tilespmem:$0x126C0] =	vst v1  }
0x2b: {  	[tilespmem:$0x126D0] =	vst v1  }
0x2c: {  	[tilespmem:$0x126E0] =	vst v1  }
0x2d: {  	[tilespmem:$0x126F0] =	vst v1  }
0x2e: {  	[tilespmem:$0x12700] =	vst v1  }
0x2f: {  	[tilespmem:$0x12710] =	vst v1  }
0x30: {  	[tilespmem:$0x12720] =	vst v1  }
0x31: {  	[tilespmem:$0x12730] =	vst v1  }
0x32: {  	[spmem:s5] =	stream.linear.scatter [tilespmem:s22], [sflag:$0x2], $0x140, $0x38;
	[tilespmem:$0x15300] =	vst v63  }
0x33: {  	_ =	swait.ge [sflag:s17], $0x140  }
0x34: {  	[sflag:s17] =	ssyncset.done $0x0  }
0x35: {  	[sflag:s17] =	ssyncadd.s32 $0xFFFFFEC0  }
0x36: {  	_ =	swait.ge [sflag:s23], $0x140  }
0x37: {  	[sflag:s23] =	ssyncset.done $0x0  }
0x38: {  	[sflag:s23] =	ssyncadd.s32 $0xFFFFFEC0  }
0x39: {  	[spmem:s12] =	stream.linear.scatter [tilespmem:s19], [sflag:$0x2], $0x140, $0x38;
	[tilespmem:$0x15300] =	vst v63  }
0x3a: {  	_ =	swait.ge [sflag:s17], $0x140  }
0x3b: {  	[sflag:s17] =	ssyncset.done $0x0  }
0x3c: {  	[sflag:s17] =	ssyncadd.s32 $0xFFFFFEC0  }
0x3d: {  	_ =	swait.ge [sflag:s23], $0x3100  }
0x3e: {  	[sflag:s23] =	ssyncset.done $0x0  }
0x3f: {  	[sflag:s23] =	ssyncadd.s32 $0xFFFFCF00  }
0x40: {  	_ =	swait.ge [sflag:s23], $0x3100  }
0x41: {  	[sflag:s23] =	ssyncset.done $0x0  }
0x42: {  	[sflag:s23] =	ssyncadd.s32 $0xFFFFCF00  }
0x43: {  	_ =	swait.ge [sflag:s23], $0x3100  }
0x44: {  	[sflag:s23] =	ssyncset.done $0x0  }
0x45: {  	s21 =	simm.s32 $0x3140;
	[sflag:s23] =	ssyncadd.s32 $0xFFFFCF00  }
0x46: {  	v2 =	vld [tilespmem:s21+$0x30]  }
0x47: {  	v3 =	vld [tilespmem:s21+$0xFFFFFFD0]  }
0x48: {  	s31 =	simm.s32 $0x6240;
	v6 =	vld [tilespmem:s21+$0xFFFFFFF0]  }
0x49: {  	v4 =	vld [tilespmem:s31+$0x30]  }
0x4a: {  	v5 =	vld [tilespmem:s21+$0xFFFFFFE0]  }
0x4b: {  	p0 =	sle.u32 s11, $0x7;
	p1 =	sle.u32 s11, $0x1;
	vm2 =	vmmov vm0;
	vm3 =	vmmov vm0;
	vm8 =	vmmov vm0;
	v7 =	vld [tilespmem:s21+$0x0]  }
0x4c: {  	vm2 =	vmneg @p0 vm2;
	vm3 =	vmneg @p1 vm3;
	v8 =	vld [tilespmem:s21+$0x10];
	vm1 =	veq.s32 v2, v0  }
0x4d: {  	v9 =	vld [tilespmem:s21+$0x20];
	vm4 =	veq.s32 v3, v0;
	vm7 =	veq.s32 v6, v0;
	vm1 =	vmand vm2, vm1  }
0x4e: {  	p0 =	sle.u32 s11, $0x2;
	p1 =	sle.u32 s11, $0x3;
	v3 =	vld [tilespmem:s21+$0xFFFFFFC0];
	vm5 =	vmand vm3, vm4;
	vm3 =	vmmov vm0;
	vm4 =	vmmov vm0  }
0x4f: {  	v10 =	vld [tilespmem:s31+$0xFFFFFFD0];
	vm2 =	veq.s32 v5, v0;
	vm3 =	vmneg @p0 vm3;
	vm4 =	vmneg @p1 vm4  }
0x50: {  	v5 =	vld [tilespmem:s31+$0xFFFFFFC0];
	v4 =	vnsel vm1, $0x0, v4;
	vm6 =	vmand vm3, vm2;
	vm1 =	vmand vm4, vm7  }
0x51: {  	v11 =	vld [tilespmem:s31+$0xFFFFFFE0];
	p0 =	sle.u32 s11, $0x4;
	p1 =	sle.u32 s11, $0x0;
	vm2 =	vmmov vm0;
	vm3 =	veq.s32 v7, v0;
	vm4 =	veq.s32 v8, v0  }
0x52: {  	v2 =	vld [tilespmem:s31+$0xFFFFFFF0];
	vm7 =	vmmov vm0;
	vm8 =	vmneg @p1 vm8;
	vm2 =	vmneg @p0 vm2;
	p0 =	sle.u32 s11, $0x5  }
0x53: {  	vm7 =	vmneg @p0 vm7;
	vm9 =	veq.s32 v3, v0;
	v3 =	vld [tilespmem:s31+$0x0];
	vm2 =	vmand vm2, vm3  }
0x54: {  	s1 =	simm.s32 $0x9340;
	v6 =	vld [tilespmem:s31+$0x10];
	p0 =	sle.u32 s11, $0x6;
	vm3 =	vmand vm7, vm4;
	vm4 =	vmmov vm0;
	vm7 =	vmand vm8, vm9  }
0x55: {  	s0 =	simm.s32 $0x31C0;
	vm15 =	veq.s32 v9, v0;
	[tilespmem:s1+$0x30] =	vst v4;
	v4 =	vld [tilespmem:s31+$0x20];
	vm4 =	vmneg @p0 vm4;
	v7 =	vnsel vm7, $0x0, v5  }
0x56: {  	s30 =	simm.s32 $0x8;
	s3 =	simm.s32 $0x10;
	v8 =	vnsel vm5, $0x0, v10;
	v5 =	vld [tilespmem:s0+$0x30];
	vm4 =	vmand vm4, vm15;
	[tilespmem:s1+$0xFFFFFFC0] =	vst v7;
	v7 =	vnsel vm6, $0x0, v11  }
.LBB2_2:
0x57: {  	p0 =	slt.u32 s3, $0x308;
	v9 =	vld [tilespmem:s0+$0xFFFFFFD0];
	[tilespmem:s1+$0xFFFFFFD0] =	vst v8;
	v2 =	vnsel vm1, $0x0, v2;
	s31 =	sadd.s32 $0x80, s31  }
0x58: {  	v8 =	vld [tilespmem:s31+$0x30];
	[tilespmem:s1+$0xFFFFFFE0] =	vst v7;
	v3 =	vnsel vm2, $0x0, v3  }
0x59: {  	s18 =	sadd.s32 $0x7, s30;
	vm7 =	vmmov vm0;
	v7 =	vld [tilespmem:s0+$0xFFFFFFE0]  }
0x5a: {  	s21 =	sadd.s32 $0x1, s30;
	vm9 =	vmmov vm0;
	p1 =	sge.u32 s18, s11;
	vm2 =	vmmov vm0;
	[tilespmem:s1+$0xFFFFFFF0] =	vst v2;
	v2 =	vnsel vm3, $0x0, v6  }
0x5b: {  	p2 =	sge.u32 s21, s11;
	vm2 =	vmneg @p1 vm2;
	v6 =	vld [tilespmem:s0+$0xFFFFFFF0];
	[tilespmem:s1+$0x0] =	vst v3;
	v3 =	vnsel vm4, $0x0, v4;
	vm4 =	vmmov vm0  }
0x5c: {  	s18 =	sadd.s32 $0x2, s30;
	v4 =	vld [tilespmem:s0+$0x0];
	vm1 =	veq.s32 v5, v0;
	[tilespmem:s1+$0x10] =	vst v2;
	vm4 =	vmneg @p2 vm4;
	vm3 =	veq.s32 v9, v0  }
0x5d: {  	p1 =	sge.u32 s18, s11;
	v2 =	vld [tilespmem:s0+$0x10];
	vm1 =	vmand vm2, vm1;
	[tilespmem:s1+$0x20] =	vst v3;
	vm2 =	vmmov vm0;
	vm5 =	vmand vm4, vm3  }
0x5e: {  	s18 =	sadd.s32 $0x3, s30;
	s1 =	sadd.s32 $0x80, s1;
	v3 =	vld [tilespmem:s0+$0x20];
	v5 =	vnsel vm1, $0x0, v8;
	vm2 =	vmneg @p1 vm2;
	vm1 =	veq.s32 v7, v0  }
0x5f: {  	p1 =	sge.u32 s18, s11;
	s18 =	sadd.s32 $0x4, s30;
	vm3 =	vmmov vm0;
	v8 =	vld [tilespmem:s0+$0xFFFFFFC0];
	[tilespmem:s1+$0x30] =	vst v5;
	vm6 =	vmand vm2, vm1;
	vm2 =	vmmov vm0  }
0x60: {  	vm4 =	vmmov vm0;
	v5 =	vld [tilespmem:s31+$0xFFFFFFC0];
	vm1 =	veq.s32 v6, v0;
	vm2 =	vmneg @p1 vm2;
	p1 =	sge.u32 s18, s11;
	s18 =	sadd.s32 $0x5, s30  }
0x61: {  	v7 =	vld [tilespmem:s31+$0xFFFFFFD0];
	vm1 =	vmand vm2, vm1;
	vm2 =	veq.s32 v4, v0;
	vm3 =	vmneg @p1 vm3;
	p1 =	sge.u32 s18, s11;
	s18 =	sadd.s32 $0x6, s30  }
0x62: {  	v9 =	vld [tilespmem:s31+$0xFFFFFFE0];
	vm2 =	vmand vm3, vm2;
	vm3 =	veq.s32 v2, v0;
	vm4 =	vmneg @p1 vm4;
	p1 =	sge.u32 s18, s11  }
.Ltmp0:
0x63: {  	p2 =	sge.u32 s30, s11;
	s30 =	smov.u32 s3;
	v2 =	vld [tilespmem:s31+$0xFFFFFFF0];
	vm3 =	vmand vm4, vm3;
	vm4 =	veq.s32 v3, v0;
	vm7 =	vmneg @p1 vm7;
	(pc) =	sbr.rel @p0 .LBB2_2-.Ltmp0, $4  }
0x64: {  	vm9 =	vmneg @p2 vm9;
	vm8 =	veq.s32 v8, v0;
	v3 =	vld [tilespmem:s31+$0x0];
	vm4 =	vmand vm7, vm4  }
0x65: {  	vm7 =	vmand vm9, vm8;
	v6 =	vld [tilespmem:s31+$0x10]  }
0x66: {  	s0 =	sadd.s32 $0x80, s0;
	v10 =	vnsel vm7, $0x0, v5;
	v8 =	vnsel vm5, $0x0, v7;
	v4 =	vld [tilespmem:s31+$0x20]  }
0x67: {  	s3 =	sadd.s32 $0x8, s3;
	v5 =	vld [tilespmem:s0+$0x30];
	[tilespmem:s1+$0xFFFFFFC0] =	vst v10;
	v7 =	vnsel vm6, $0x0, v9  }
0x68: {  	v9 =	vld [tilespmem:s0+$0xFFFFFFD0]  }
0x69: {  	v11 =	vld [tilespmem:s0+$0xFFFFFFE0]  }
0x6a: {  	v12 =	vld [tilespmem:s0+$0xFFFFFFF0]  }
0x6b: {  	v13 =	vld [tilespmem:s0+$0x0]  }
0x6c: {  	s3 =	sadd.s32 $0x80, s31;
	s18 =	sadd.s32 $0x7, s30;
	v15 =	vld [tilespmem:s0+$0xFFFFFFC0];
	v2 =	vnsel vm1, $0x0, v2;
	vm1 =	vmmov vm0  }
0x6d: {  	s21 =	sadd.s32 $0x1, s30;
	vm5 =	vmmov vm0;
	v10 =	vld [tilespmem:s3+$0x30];
	v3 =	vnsel vm2, $0x0, v3;
	p0 =	sge.u32 s18, s11;
	v6 =	vnsel vm3, $0x0, v6  }
0x6e: {  	v14 =	vld [tilespmem:s0+$0x10];
	p1 =	sge.u32 s21, s11;
	vm1 =	vmneg @p0 vm1;
	vm3 =	vmmov vm0;
	v4 =	vnsel vm4, $0x0, v4  }
0x6f: {  	[tilespmem:s1+$0xFFFFFFF0] =	vst v2;
	v2 =	vld [tilespmem:s3+$0xFFFFFFD0];
	vm3 =	vmneg @p1 vm3;
	p1 =	sge.u32 s30, s11;
	vm4 =	vmmov vm0;
	vm2 =	veq.s32 v5, v0  }
0x70: {  	[tilespmem:s1+$0xFFFFFFE0] =	vst v7;
	v7 =	vld [tilespmem:s3+$0xFFFFFFE0];
	vm4 =	vmneg @p1 vm4;
	vm14 =	veq.s32 v9, v0;
	vm2 =	vmand vm1, vm2  }
0x71: {  	s31 =	sadd.s32 $0x2, s30;
	[tilespmem:s1+$0x0] =	vst v3;
	v5 =	vld [tilespmem:s3+$0xFFFFFFC0];
	vm6 =	veq.s32 v15, v0;
	vm7 =	veq.s32 v12, v0;
	vm15 =	veq.s32 v13, v0  }
0x72: {  	s18 =	sadd.s32 $0x3, s30;
	p0 =	sge.u32 s31, s11;
	[tilespmem:s1+$0x10] =	vst v6;
	v6 =	vld [tilespmem:s3+$0xFFFFFFF0];
	vm1 =	vmand vm3, vm14;
	v3 =	vnsel vm2, $0x0, v10;
	vm3 =	vmmov vm0  }
0x73: {  	[tilespmem:s1+$0xFFFFFFD0] =	vst v8;
	v8 =	vld [tilespmem:s0+$0x20];
	vm2 =	veq.s32 v11, v0;
	vm4 =	vmand vm4, vm6;
	vm3 =	vmneg @p0 vm3;
	p0 =	sge.u32 s18, s11  }
0x74: {  	s0 =	sadd.s32 $0x80, s1;
	[tilespmem:s1+$0x20] =	vst v4;
	v4 =	vld [tilespmem:s3+$0x0];
	vm6 =	vmmov vm0;
	v2 =	vnsel vm1, $0x0, v2;
	vm5 =	vmneg @p0 vm5  }
0x75: {  	s21 =	sadd.s32 $0x4, s30;
	[tilespmem:s0+$0x30] =	vst v3;
	v3 =	vld [tilespmem:s3+$0x10];
	vm1 =	veq.s32 v14, v0;
	vm2 =	vmand vm3, vm2;
	vm3 =	vmand vm5, vm7  }
0x76: {  	s31 =	sadd.s32 $0x5, s30;
	v9 =	vld [tilespmem:s3+$0x20];
	p0 =	sge.u32 s21, s11;
	[tilespmem:s0+$0xFFFFFFD0] =	vst v2;
	vm5 =	vmmov vm0;
	v5 =	vnsel vm4, $0x0, v5;
	vm4 =	vmmov vm0  }
0x77: {  	s18 =	sadd.s32 $0x6, s30;
	vm5 =	vmneg @p0 vm5;
	p0 =	sge.u32 s31, s11;
	[tilespmem:s0+$0xFFFFFFC0] =	vst v5;
	v5 =	vnsel vm2, $0x0, v7;
	v2 =	vnsel vm3, $0x0, v6  }
0x78: {  	vm3 =	veq.s32 v8, v0;
	vm6 =	vmneg @p0 vm6;
	vm2 =	vmand vm5, vm15;
	p0 =	sge.u32 s18, s11;
	[tilespmem:s0+$0xFFFFFFE0] =	vst v5  }
0x79: {  	[tilespmem:s0+$0xFFFFFFF0] =	vst v2;
	vm1 =	vmand vm6, vm1;
	vm4 =	vmneg @p0 vm4;
	v4 =	vnsel vm2, $0x0, v4  }
0x7a: {  	vm2 =	vmand vm4, vm3;
	v2 =	vnsel vm1, $0x0, v3;
	[tilespmem:s0+$0x0] =	vst v4  }
0x7b: {  	v3 =	vnsel vm2, $0x0, v9;
	[tilespmem:s0+$0x10] =	vst v2  }
0x7c: {  	[tilespmem:s0+$0x20] =	vst v3  }
0x7d: {  	[bflag:$0x0] =	sbarrier.arrive $0xFFFF  }
0x7e: {  	[spmem:s2] =	stream.indirect.scatter.add.f32 [tilespmem:s24], [sflag:$0x2], $0x1, s4, s20, $0xb8;
	[tilespmem:$0x15300] =	vst v63  }
0x7f: {  	_ =	swait.ge [sflag:s17], $0x3100  }
0x80: {  	[sflag:s17] =	ssyncset.done $0x0  }
0x81: {  	[sflag:s17] =	ssyncadd.s32 $0xFFFFCF00  }
0x82: {  	[bflag:$0x0] =	sbarrier.arrive $0xFFFF  }
0x83: {  	[tilespmem:s22], [sflag:$0x2] =	stream.linear.gather [spmem:s2], $0x1400, $0x38;
	[tilespmem:$0x15300] =	vst v63  }
0x84: {  	_ =	swait.ge [sflag:s17], $0x1400  }
0x85: {  	[sflag:s17] =	ssyncset.done $0x0  }
0x86: {  	[sflag:s17] =	ssyncadd.s32 $0xFFFFEC00  }
0x87: {  	s21 =	rddreg [dreg:$0x3]  }
0x88: {  	[tilespmem:s25], [sflag:$0x2] =	stream.linear.gather [spmem:s21], $0x1400, $0x38;
	[tilespmem:$0x15300] =	vst v63  }
0x89: {  	_ =	swait.ge [sflag:s17], $0x1400  }
0x8a: {  	[sflag:s17] =	ssyncset.done $0x0  }
0x8b: {  	s31 =	simm.s32 $0x40;
	[sflag:s17] =	ssyncadd.s32 $0xFFFFEC00  }
0x8c: {  	v2 =	vld [tilespmem:s31+$0x30]  }
0x8d: {  	v3 =	vld [tilespmem:s31+$0xFFFFFFD0]  }
0x8e: {  	v4 =	vld [tilespmem:s31+$0xFFFFFFE0]  }
0x8f: {  	v5 =	vld [tilespmem:s31+$0xFFFFFFF0]  }
0x90: {  	v6 =	vld [tilespmem:s31+$0x0]  }
0x91: {  	v7 =	vld [tilespmem:s31+$0x10]  }
0x92: {  	v10 =	vld [tilespmem:s31+$0x20]  }
0x93: {  	v8 =	vld [tilespmem:s31+$0xFFFFFFC0]  }
0x94: {  	v9 =	vld.idx.msk [tilespmem:v2+s22+$0x0], $0xffff  }
0x95: {  	v2 =	vld.idx.msk [tilespmem:v2+s25+$0x0], $0xffff  }
0x96: {  	v11 =	vld.idx.msk [tilespmem:v3+s22+$0x0], $0xffff  }
0x97: {  	v3 =	vld.idx.msk [tilespmem:v3+s25+$0x0], $0xffff  }
0x98: {  	v61 =	vld.idx.msk [tilespmem:v4+s22+$0x0], $0xffff  }
0x99: {  	v4 =	vld.idx.msk [tilespmem:v4+s25+$0x0], $0xffff  }
0x9a: {  	v62 =	vld.idx.msk [tilespmem:v5+s22+$0x0], $0xffff  }
0x9b: {  	s0 =	simm.s32 $0xC440;
	v63 =	vld.idx.msk [tilespmem:v8+s22+$0x0], $0xffff  }
0x9c: {  	v8 =	vld.idx.msk [tilespmem:v8+s25+$0x0], $0xffff;
	[tilespmem:s0+$0x30] =	vst v9  }
0x9d: {  	v2 =	vmul.f32 v2, v9;
	v9 =	vld.idx.msk [tilespmem:v5+s25+$0x0], $0xffff;
	[tilespmem:s0+$0xFFFFFFD0] =	vst v11  }
0x9e: {  	s1 =	simm.s32 $0xF540;
	[tilespmem:s0+$0xFFFFFFE0] =	vst v61;
	v5 =	vld.idx.msk [tilespmem:v7+s25+$0x0], $0xffff  }
0x9f: {  	v3 =	vmul.f32 v3, v11;
	[tilespmem:s1+$0x30] =	vst v2;
	v2 =	vld.idx.msk [tilespmem:v6+s22+$0x0], $0xffff  }
0xa0: {  	v4 =	vmul.f32 v4, v61;
	[tilespmem:s0+$0xFFFFFFC0] =	vst v63;
	v6 =	vld.idx.msk [tilespmem:v6+s25+$0x0], $0xffff  }
0xa1: {  	[tilespmem:s1+$0xFFFFFFD0] =	vst v3;
	v3 =	vld.idx.msk [tilespmem:v7+s22+$0x0], $0xffff  }
0xa2: {  	v8 =	vmul.f32 v8, v63;
	[tilespmem:s1+$0xFFFFFFE0] =	vst v4;
	v4 =	vld.idx.msk [tilespmem:v10+s22+$0x0], $0xffff  }
0xa3: {  	s3 =	simm.s32 $0x0;
	s30 =	simm.s32 $0xC0;
	[tilespmem:s0+$0xFFFFFFF0] =	vst v62;
	v7 =	vld.idx.msk [tilespmem:v10+s25+$0x0], $0xffff;
	v9 =	vmul.f32 v9, v62  }
.LBB2_4:
0xa4: {  	v10 =	vld [tilespmem:s30+$0x30];
	[tilespmem:s1+$0xFFFFFFC0] =	vst v8  }
0xa5: {  	s3 =	sadd.s32 $0x8, s3;
	v6 =	vmul.f32 v6, v2;
	v8 =	vld [tilespmem:s30+$0xFFFFFFD0];
	[tilespmem:s1+$0xFFFFFFF0] =	vst v9  }
0xa6: {  	p0 =	slt.u32 s3, $0x308;
	v9 =	vld [tilespmem:s30+$0xFFFFFFE0];
	[tilespmem:s0+$0x0] =	vst v2  }
0xa7: {  	v5 =	vmul.f32 v5, v3;
	v2 =	vld [tilespmem:s30+$0xFFFFFFF0];
	[tilespmem:s1+$0x0] =	vst v6  }
0xa8: {  	v6 =	vld [tilespmem:s30+$0x0];
	[tilespmem:s0+$0x10] =	vst v3  }
0xa9: {  	v3 =	vmul.f32 v7, v4;
	v11 =	vld [tilespmem:s30+$0x10];
	[tilespmem:s1+$0x10] =	vst v5  }
0xaa: {  	v7 =	vld [tilespmem:s30+$0x20];
	[tilespmem:s0+$0x20] =	vst v4  }
0xab: {  	v4 =	vld [tilespmem:s30+$0xFFFFFFC0];
	[tilespmem:s1+$0x20] =	vst v3  }
0xac: {  	v3 =	vld.idx.msk [tilespmem:v10+s22+$0x0], $0xffff  }
0xad: {  	v5 =	vld.idx.msk [tilespmem:v10+s25+$0x0], $0xffff  }
0xae: {  	v10 =	vld.idx.msk [tilespmem:v8+s22+$0x0], $0xffff  }
0xaf: {  	v8 =	vld.idx.msk [tilespmem:v8+s25+$0x0], $0xffff  }
0xb0: {  	v12 =	vld.idx.msk [tilespmem:v9+s22+$0x0], $0xffff  }
0xb1: {  	v9 =	vld.idx.msk [tilespmem:v9+s25+$0x0], $0xffff  }
0xb2: {  	v13 =	vld.idx.msk [tilespmem:v2+s22+$0x0], $0xffff  }
0xb3: {  	s0 =	sadd.s32 $0x80, s0;
	v5 =	vmul.f32 v5, v3;
	v14 =	vld.idx.msk [tilespmem:v4+s22+$0x0], $0xffff  }
0xb4: {  	s1 =	sadd.s32 $0x80, s1;
	v4 =	vld.idx.msk [tilespmem:v4+s25+$0x0], $0xffff;
	[tilespmem:s0+$0x30] =	vst v3  }
0xb5: {  	v3 =	vmul.f32 v8, v10;
	v15 =	vld.idx.msk [tilespmem:v2+s25+$0x0], $0xffff;
	[tilespmem:s1+$0x30] =	vst v5  }
0xb6: {  	[tilespmem:s0+$0xFFFFFFD0] =	vst v10;
	v2 =	vld.idx.msk [tilespmem:v6+s22+$0x0], $0xffff  }
.Ltmp1:
0xb7: {  	v5 =	vmul.f32 v9, v12;
	[tilespmem:s1+$0xFFFFFFD0] =	vst v3;
	v6 =	vld.idx.msk [tilespmem:v6+s25+$0x0], $0xffff;
	(pc) =	sbr.rel @p0 .LBB2_4-.Ltmp1, $4  }
0xb8: {  	[tilespmem:s0+$0xFFFFFFE0] =	vst v12;
	v3 =	vld.idx.msk [tilespmem:v11+s22+$0x0], $0xffff  }
0xb9: {  	[tilespmem:s1+$0xFFFFFFE0] =	vst v5;
	v5 =	vld.idx.msk [tilespmem:v11+s25+$0x0], $0xffff  }
0xba: {  	v8 =	vmul.f32 v4, v14;
	[tilespmem:s0+$0xFFFFFFC0] =	vst v14;
	v4 =	vld.idx.msk [tilespmem:v7+s22+$0x0], $0xffff  }
0xbb: {  	s30 =	sadd.s32 $0x80, s30;
	v9 =	vmul.f32 v15, v13;
	[tilespmem:s0+$0xFFFFFFF0] =	vst v13;
	v7 =	vld.idx.msk [tilespmem:v7+s25+$0x0], $0xffff  }
0xbc: {  	[tilespmem:s1+$0xFFFFFFC0] =	vst v8  }
0xbd: {  	[tilespmem:s0+$0x0] =	vst v2  }
0xbe: {  	v6 =	vmul.f32 v6, v2;
	[tilespmem:s1+$0xFFFFFFF0] =	vst v9  }
0xbf: {  	[tilespmem:s0+$0x10] =	vst v3;
	v2 =	vmul.f32 v5, v3  }
0xc0: {  	[tilespmem:s1+$0x0] =	vst v6  }
0xc1: {  	[tilespmem:s1+$0x10] =	vst v2;
	v2 =	vmul.f32 v7, v4  }
0xc2: {  	[tilespmem:s0+$0x20] =	vst v4  }
0xc3: {  	[tilespmem:s1+$0x20] =	vst v2  }
0xc4: {  	[hbm4b:s13+s4] =	stream.linear.scatter [tilespmem:s26], [sflag:$0x2], $0x3100, $0x38;
	[tilespmem:$0x15300] =	vst v63  }
0xc5: {  	s29 =	sadd.s32 $0x1, s29;
	_ =	swait.ge [sflag:s17], $0x3100  }
0xc6: {  	p0 =	sne.s32 s29, s15;
	[sflag:s17] =	ssyncset.done $0x0  }
.Ltmp2:
0xc7: {  	[sflag:s17] =	ssyncadd.s32 $0xFFFFCF00;
	(pc) =	sbr.rel @p0 .LBB2_1-.Ltmp2, $4  }
0xc8: {  	[hbm4b:s14+s4] =	stream.linear.scatter [tilespmem:s28], [sflag:$0x2], $0x3100, $0x38;
	[tilespmem:$0x15300] =	vst v63  }
0xc9: {  	_ =	swait.ge [sflag:s17], $0x3100  }
0xca: {  	[sflag:s17] =	ssyncset.done $0x0  }
0xcb: {  	[sflag:s17] =	ssyncadd.s32 $0xFFFFCF00  }
0xcc: {  	_ =	sfence.sel $0x180000  }
0xcd: {  	[bflag:$0x0] =	sbarrier.arrive $0xFFFF  }
0xce: {  	_ =	strace $0x90000047  }
0xcf: {  	s0 =	stileid.u32;
	[bflag:$0x2] =	sbarrier.arrive $0xFFFF  }
0xd0: {  	p0 =	sne.s32 s0, $0x0;
	s0 =	rddreg [dreg:$0x4]  }
0xd1: {  	s0 =	sadd.s32 @!p0 $0x100000, s0  }
0xd2: {  	[sflag:s0] =	ssyncadd.tile.s32 @!p0 $0x1;
	_ =	shalt  }
.Lfunc_end2:
_tile_overlayer_lowered:
.L_overlay_start_2:
0xd3: {  	(tag) =	ssettag $0x2  }
0xd4: {  	s0 =	rddreg [dreg:$0x0];
	s2 =	stileid.u32  }
0xd5: {  	s1 =	rddreg [dreg:$0x1];
	p0 =	sne.s32 s2, $0x0  }
0xd6: {  	s3 =	rddreg [dreg:$0x2];
	[bflag:$0x3] =	sbarrier.arrive $0xFFFF;
	s2 =	simm.s32 @!p0 $0x1C02  }
0xd7: {  	[timem:s3], [sflag:s2] =	dma.local @!p0 [hbm:s0], s1  }
0xd8: {  	s0 =	simm.s32 @!p0 $0x2  }
0xd9: {  	_ =	swait.ge @!p0 [sflag:s0], s1  }
0xda: {  	s1 =	ssub.s32 @!p0 $0x0, s1;
	[sflag:s0] =	ssyncset.done @!p0 $0x0  }
0xdb: {  	[sflag:s0] =	ssyncadd.s32 @!p0 s1  }
0xdc: {  	[bflag:$0x3] =	sbarrier.arrive $0xFFFF  }
0xdd: {  	_ =	shalt  }

</sc_bundles>
